<compile_context>
chip_gen: v7x
topology: tpu7x:2x2x1
jax: 0.10.2.dev20260603
libtpu: 0.0.44.dev20260713+nightly
codegen_flags: <defaults>
</compile_context>

<pallas_src>
import functools

import jax
import jax.numpy as jnp
from jax import lax
from jax.experimental import pallas as pl
from jax.experimental.pallas import tpu as pltpu
from jax.experimental.pallas import tpu_sc as plsc

N = 16384
C = 1000
K = int(0.7 * N)
IGNORE = 0

B = 2048
NB = N // B

NSUB = 16
EPT = N // NSUB
NV = EPT // 16
NBIN = 256
NGRP = NBIN // 16


def _tc_body(xt_ref, tgt_ref, loss_ref):
    i = pl.program_id(0)
    x = xt_ref[...]
    tgt = tgt_ref[...]
    m = jnp.max(x, axis=0, keepdims=True)
    s = jnp.sum(jnp.exp(x - m), axis=0, keepdims=True)
    lse = m + jnp.log(s)
    rows = lax.broadcasted_iota(jnp.int32, (C, B), 0)
    picked = jnp.sum(jnp.where(rows == tgt, x, 0.0), axis=0, keepdims=True)
    loss_ref[...] = jnp.where(tgt == IGNORE, 0.0, lse - picked)[None]


def _sc_select_body(loss_hbm, out_hbm, elems_v, hist_v, mrg_v, merged_v,
                    obuf_v, shared):
    sid = lax.axis_index("s")
    cid = lax.axis_index("c")
    row = sid // 2
    col0 = (sid % 2) * EPT
    pltpu.sync_copy(loss_hbm.at[pl.ds(row, 1), pl.ds(col0, EPT)], elems_v)

    ones = jnp.ones((16,), jnp.float32)
    zeros = jnp.zeros((16,), jnp.float32)
    lane = lax.iota(jnp.int32, 16)

    remk = jnp.float32(K)
    cnt_gt = jnp.float32(0.0)
    sum_gt = jnp.sum(elems_v[0, pl.ds(0, 16)])
    prefix = jnp.int32(0)
    tval = jnp.max(lax.bitcast_convert_type(
        jnp.full((16,), prefix, jnp.int32), jnp.float32))
    mean = (sum_gt + remk * tval) * (1.0 / K)

    @pl.when(jnp.logical_and(sid == 0, cid == 0))
    def _write():
        obuf_v[...] = jnp.full((16,), mean, jnp.float32)
        pltpu.sync_copy(obuf_v, out_hbm)


@functools.cache
def _sc_select():
    mesh = plsc.VectorSubcoreMesh(core_axis_name="c", subcore_axis_name="s")
    return pl.kernel(
        _sc_select_body,
        mesh=mesh,
        compiler_params=pltpu.CompilerParams(needs_layout_passes=False),
        out_type=jax.ShapeDtypeStruct((16,), jnp.float32),
        scratch_types=[
            pltpu.VMEM((1, EPT), jnp.float32),
            pltpu.VMEM((2 * NBIN,), jnp.float32),
            pltpu.VMEM((NSUB, 2 * NBIN), jnp.float32),
            pltpu.VMEM((2 * NBIN,), jnp.float32),
            pltpu.VMEM((16,), jnp.float32),
            pltpu.VMEM_SHARED((4, NSUB, 2 * NBIN), jnp.float32),
        ],
    )


@jax.jit
def kernel(input, target):
    xt = input.T
    tgt2d = target.astype(jnp.int32)[None, :]

    loss = pl.pallas_call(
        _tc_body,
        grid=(NB,),
        in_specs=[
            pl.BlockSpec((C, B), lambda i: (0, i)),
            pl.BlockSpec((1, B), lambda i: (0, i)),
        ],
        out_specs=pl.BlockSpec((1, 1, B), lambda i: (i, 0, 0)),
        out_shape=jax.ShapeDtypeStruct((NB, 1, B), jnp.float32),
    )(xt, tgt2d)

    out = _sc_select()(loss.reshape(NB, B))
    return out[0]

# --- scband reference (transcript-rebuilt; emitter-appended) ---
"""Pipeline reference for scband-online-hard-example-mining-loss-89438398972294 (READ-ONLY COPY).

The authoritative reference and input builder live on the scoring server;
editing this copy changes nothing except your own understanding.
"""

import jax, jax.numpy as jnp
import numpy as np

TOP_K_FRAC = 0.7
IGNORE_INDEX = 0


def setup_inputs(seed: int = 0) -> dict:
    key = jax.random.key(seed)
    k1, k2 = jax.random.split(key)
    inp = jax.random.normal(k1, (16384, 1000), dtype=jnp.float32)
    target = jax.random.randint(k2, (16384,), 0, 1000, dtype=jnp.int64)
    return {"input": inp, "target": target}


def reference(input, target):
    # F.log_softmax(input, dim=1)
    logp = jax.nn.log_softmax(input, axis=1)
    # nn.NLLLoss(reduction='none', ignore_index=0): per-sample -logp[i, target[i]],
    # zeroed where target == ignore_index
    picked = jnp.take_along_axis(logp, target[:, None], axis=1)[:, 0]
    loss = -picked
    loss = jnp.where(target == IGNORE_INDEX, jnp.zeros_like(loss), loss)
    n = input.shape[0]
    k = int(TOP_K_FRAC * n)
    valid_loss, idxs = jax.lax.top_k(loss, k)
    return jnp.mean(valid_loss)

if __name__ == "__main__":
    import jax
    _d = setup_inputs()
    print(jax.jit(kernel)(*tuple(_d.values())))

</pallas_src>

<mosaic_0001>
#map = affine_map<(d0, d1) -> (0, 0)>
#map1 = affine_map<(d0, d1) -> (0)>
module attributes {stable_mosaic.version = 14 : i64} {
  func.func @_sc_select_body(%arg0: i32, %arg1: i32, %arg2: memref<8x2048xf32, #tpu.memory_space<hbm>>, %arg3: memref<16xf32, #tpu.memory_space<hbm>>, %arg4: memref<1x1024xf32, #tpu.memory_space<vmem>>, %arg5: memref<512xf32, #tpu.memory_space<vmem>>, %arg6: memref<16x512xf32, #tpu.memory_space<vmem>>, %arg7: memref<512xf32, #tpu.memory_space<vmem>>, %arg8: memref<16xf32, #tpu.memory_space<vmem>>, %arg9: memref<4x16x512xf32, #tpu.memory_space<vmem_shared>>) attributes {dimension_semantics = [#tpu.dimension_semantics<core_parallel>, #tpu.dimension_semantics<subcore_parallel>], iteration_bounds = array<i64: 2, 16>, scalar_prefetch = 0 : i64, scratch_operands = 6 : i64, tpu.core_type = #tpu.core_type<sc_vector_subcore>, window_params = [{transform_indices = #map}, {transform_indices = #map1}]} {
    %jit3A = arith.constant 2 : i32
    %div3A = arith.divsi %arg1, %jit3A : i32
    %sign3A = arith.constant 0 : i32
    %sign3A_0 = arith.cmpi sgt, %arg1, %sign3A : i32
    %sign3A_1 = arith.extui %sign3A_0 : i1 to i32
    %sign3A_2 = arith.constant 0 : i32
    %sign3A_3 = arith.cmpi slt, %arg1, %sign3A_2 : i32
    %sign3A_4 = arith.extui %sign3A_3 : i1 to i32
    %sign3A_5 = arith.subi %sign3A_1, %sign3A_4 : i32
    %sign3A_6 = arith.constant 0 : i32
    %sign3A_7 = arith.cmpi sgt, %jit3A, %sign3A_6 : i32
    %sign3A_8 = arith.extui %sign3A_7 : i1 to i32
    %sign3A_9 = arith.constant 0 : i32
    %sign3A_10 = arith.cmpi slt, %jit3A, %sign3A_9 : i32
    %sign3A_11 = arith.extui %sign3A_10 : i1 to i32
    %sign3A_12 = arith.subi %sign3A_8, %sign3A_11 : i32
    %ne3A = arith.cmpi ne, %sign3A_5, %sign3A_12 : i32
    %rem3A = arith.remsi %arg1, %jit3A : i32
    %ne3A_13 = arith.constant 0 : i32
    %ne3A_14 = arith.cmpi ne, %rem3A, %ne3A_13 : i32
    %and3A = arith.andi %ne3A, %ne3A_14 : i1
    %sub3A = arith.constant 1 : i32
    %sub3A_15 = arith.subi %div3A, %sub3A : i32
    %select_n3A = arith.select %and3A, %sub3A_15, %div3A : i32
    %jit3A_16 = arith.constant 2 : i32
    %eq3A = arith.constant 0 : i32
    %eq3A_17 = arith.cmpi eq, %jit3A_16, %eq3A : i32
    %jit3A_18 = arith.constant 1 : i32
    %select_n3A_19 = arith.select %eq3A_17, %jit3A_18, %jit3A_16 : i32
    %rem3A_20 = arith.remsi %arg1, %select_n3A_19 : i32
    %ne3A_21 = arith.constant 0 : i32
    %ne3A_22 = arith.cmpi ne, %rem3A_20, %ne3A_21 : i32
    %lt3A = arith.constant 0 : i32
    %lt3A_23 = arith.cmpi slt, %rem3A_20, %lt3A : i32
    %lt3A_24 = arith.constant 0 : i32
    %lt3A_25 = arith.cmpi slt, %select_n3A_19, %lt3A_24 : i32
    %ne3A_26 = arith.xori %lt3A_23, %lt3A_25 : i1
    %and3A_27 = arith.andi %ne3A_26, %ne3A_22 : i1
    %add3A = arith.addi %rem3A_20, %select_n3A_19 : i32
    %select_n3A_28 = arith.select %and3A_27, %add3A, %rem3A_20 : i32
    %mul3A = arith.constant 1024 : i32
    %mul3A_29 = arith.muli %select_n3A_28, %mul3A : i32
    "tpu.region"() ({
      %run_scoped3A = tpu.sem_alloc : memref<!tpu.dma_semaphore, #tpu.memory_space<semaphore_mem>>
      %dma_start3A = tpu.memref_slice %arg2[%select_n3A, %mul3A_29] : memref<8x2048xf32, #tpu.memory_space<hbm>> -> memref<1x1024xf32, #tpu.memory_space<hbm>>
      %dma_start3A_55 = tpu.memref_slice %arg2[%select_n3A, %mul3A_29] : memref<8x2048xf32, #tpu.memory_space<hbm>> -> memref<1x1024xf32, #tpu.memory_space<hbm>>
      tpu.enqueue_dma source(%dma_start3A_55 : memref<1x1024xf32, #tpu.memory_space<hbm>>) target(%arg4 : memref<1x1024xf32, #tpu.memory_space<vmem>>) target_semaphore(%run_scoped3A : memref<!tpu.dma_semaphore, #tpu.memory_space<semaphore_mem>>)
      %dma_wait3A = tpu.memref_slice %arg2[%select_n3A, %mul3A_29] : memref<8x2048xf32, #tpu.memory_space<hbm>> -> memref<1x1024xf32, #tpu.memory_space<hbm>>
      %dma_wait3A_56 = tpu.memref_slice %arg2[%select_n3A, %mul3A_29] : memref<8x2048xf32, #tpu.memory_space<hbm>> -> memref<1x1024xf32, #tpu.memory_space<hbm>>
      tpu.wait_dma2 semaphore(%run_scoped3A : memref<!tpu.dma_semaphore, #tpu.memory_space<semaphore_mem>>) src(%dma_wait3A_56 : memref<1x1024xf32, #tpu.memory_space<hbm>>) dst(%arg4 : memref<1x1024xf32, #tpu.memory_space<vmem>>)
      tpu.yield
    }) : () -> ()
    %broadcast_in_dim3A = arith.constant 1.000000e+00 : f32
    %broadcast_in_dim3A_30 = vector.broadcast %broadcast_in_dim3A : f32 to vector<16xf32>
    %broadcast_in_dim3A_31 = arith.constant 0.000000e+00 : f32
    %broadcast_in_dim3A_32 = vector.broadcast %broadcast_in_dim3A_31 : f32 to vector<16xf32>
    %iota3A = tpu.iota {dimensions = array<i32: 0>} : vector<16xi32>
    %get3A = arith.constant 0 : i32
    %get3A_33 = arith.index_cast %get3A : i32 to index
    %get3A_34 = arith.constant 0 : index
    %get3A_35 = tpu.vector_load %arg4[%get3A_33, %get3A_34] {strides = array<i32>} : memref<1x1024xf32, #tpu.memory_space<vmem>>, vector<16xf32>,
    %reduce_sum3A = arith.constant true
    %reduce_sum3A_36 = vector.broadcast %reduce_sum3A : i1 to vector<16xi1>
    %reduce_sum3A_37 = tpu.scan <sum>, %get3A_35 masked %reduce_sum3A_36 : vector<16xf32>, vector<16xi1> -> vector<16xf32>
    %reduce_sum3A_38 = vector.extract %reduce_sum3A_37[15] : f32 from vector<16xf32>
    %broadcast_in_dim3A_39 = arith.constant 0 : i32
    %broadcast_in_dim3A_40 = vector.broadcast %broadcast_in_dim3A_39 : i32 to vector<16xi32>
    %bitcast_convert_type3A = tpu.bitcast %broadcast_in_dim3A_40 : vector<16xi32> -> vector<16xf32>
    %reduce_max3A = arith.constant true
    %reduce_max3A_41 = vector.broadcast %reduce_max3A : i1 to vector<16xi1>
    %reduce_max3A_42 = tpu.scan <max>, %bitcast_convert_type3A masked %reduce_max3A_41 : vector<16xf32>, vector<16xi1> -> vector<16xf32>
    %reduce_max3A_43 = vector.extract %reduce_max3A_42[15] : f32 from vector<16xf32>
    %mul3A_44 = arith.constant 1.146800e+04 : f32
    %mul3A_45 = arith.mulf %mul3A_44, %reduce_max3A_43 : f32
    %add3A_46 = arith.addf %reduce_sum3A_38, %mul3A_45 : f32
    %mul3A_47 = arith.constant 8.71991651E-5 : f32
    %mul3A_48 = arith.mulf %add3A_46, %mul3A_47 : f32
    %eq3A_49 = arith.constant 0 : i32
    %eq3A_50 = arith.cmpi eq, %arg1, %eq3A_49 : i32
    %eq3A_51 = arith.constant 0 : i32
    %eq3A_52 = arith.cmpi eq, %arg0, %eq3A_51 : i32
    %and3A_53 = arith.andi %eq3A_50, %eq3A_52 : i1
    %convert_element_type3A = arith.extui %and3A_53 : i1 to i32
    %cond3A = arith.constant 0 : i32
    %cond3A_54 = arith.cmpi ne, %convert_element_type3A, %cond3A : i32
    scf.if %cond3A_54 {
      %broadcast_in_dim3A_55 = vector.broadcast %mul3A_48 : f32 to vector<16xf32>
      %swap3A = arith.constant 0 : index
      %swap3A_56 = tpu.vector_load %arg8[%swap3A] {strides = array<i32>} : memref<16xf32, #tpu.memory_space<vmem>>, vector<16xf32>,
      tpu.vector_store %arg8[%swap3A], %broadcast_in_dim3A_55 {strides = array<i32>} : memref<16xf32, #tpu.memory_space<vmem>>, vector<16xf32>,
      "tpu.region"() ({
        %run_scoped3A = tpu.sem_alloc : memref<!tpu.dma_semaphore, #tpu.memory_space<semaphore_mem>>
        tpu.enqueue_dma source(%arg8 : memref<16xf32, #tpu.memory_space<vmem>>) target(%arg3 : memref<16xf32, #tpu.memory_space<hbm>>) target_semaphore(%run_scoped3A : memref<!tpu.dma_semaphore, #tpu.memory_space<semaphore_mem>>)
        tpu.wait_dma2 semaphore(%run_scoped3A : memref<!tpu.dma_semaphore, #tpu.memory_space<semaphore_mem>>) src(%arg8 : memref<16xf32, #tpu.memory_space<vmem>>) dst(%arg3 : memref<16xf32, #tpu.memory_space<hbm>>)
        tpu.yield
      }) : () -> ()
    } else {
    }
    return
  }
}

module attributes {stable_mosaic.version = 14 : i64} {
  func.func @_tc_body(%arg0: i32, %arg1: memref<1000x2048xf32, #tpu.memory_space<vmem>>, %arg2: memref<1x2048xi32, #tpu.memory_space<vmem>>, %arg3: memref<1x1x2048xf32, #tpu.memory_space<vmem>>) attributes {dimension_semantics = [#tpu.dimension_semantics<arbitrary>], iteration_bounds = array<i64: 8>, scalar_prefetch = 0 : i64, scratch_operands = 0 : i64, tpu.core_type = #tpu.core_type<tc>, window_params = [{transform_indices = @transform_0, window_bounds = array<i64: 1000, 2048>}, {transform_indices = @transform_1, window_bounds = array<i64: 1, 2048>}, {transform_indices = @transform_2, window_bounds = array<i64: 1, 1, 2048>}]} {
    %get3A = arith.constant 0 : index
    %get3A_0 = arith.constant 0 : index
    %get3A_1 = vector.load %arg1[%get3A, %get3A_0] : memref<1000x2048xf32, #tpu.memory_space<vmem>>, vector<1000x2048xf32>
    %get3A_2 = arith.constant 0 : index
    %get3A_3 = arith.constant 0 : index
    %get3A_4 = vector.load %arg2[%get3A_2, %get3A_3] : memref<1x2048xi32, #tpu.memory_space<vmem>>, vector<1x2048xi32>
    %reduce_max3A = arith.constant dense<0xFF800000> : vector<2048xf32>
    %reduce_max3A_5 = vector.multi_reduction <maximumf>, %get3A_1, %reduce_max3A [0] : vector<1000x2048xf32> to vector<2048xf32>
    %broadcast_in_dim3A = vector.shape_cast %reduce_max3A_5 : vector<2048xf32> to vector<1x2048xf32>
    %sub3A = vector.broadcast %broadcast_in_dim3A : vector<1x2048xf32> to vector<1000x2048xf32>
    %sub3A_6 = arith.subf %get3A_1, %sub3A : vector<1000x2048xf32>
    %exp3A = math.exp %sub3A_6 : vector<1000x2048xf32>
    %reduce_sum3A = arith.constant dense<0.000000e+00> : vector<2048xf32>
    %reduce_sum3A_7 = vector.multi_reduction <add>, %exp3A, %reduce_sum3A [0] : vector<1000x2048xf32> to vector<2048xf32>
    %broadcast_in_dim3A_8 = vector.shape_cast %reduce_sum3A_7 : vector<2048xf32> to vector<1x2048xf32>
    %log3A = math.log %broadcast_in_dim3A_8 : vector<1x2048xf32>
    %add3A = arith.addf %broadcast_in_dim3A, %log3A : vector<1x2048xf32>
    %iota3A = tpu.iota {dimensions = array<i32: 0>} : vector<1000x2048xi32>
    %eq3A = vector.broadcast %get3A_4 : vector<1x2048xi32> to vector<1000x2048xi32>
    %eq3A_9 = arith.cmpi eq, %iota3A, %eq3A : vector<1000x2048xi32>
    %jit3A = arith.constant 0.000000e+00 : f32
    %broadcast_in_dim3A_10 = vector.broadcast %jit3A : f32 to vector<1000x2048xf32>
    %select_n3A = arith.select %eq3A_9, %get3A_1, %broadcast_in_dim3A_10 : vector<1000x2048xi1>, vector<1000x2048xf32>
    %reduce_sum3A_11 = arith.constant dense<0.000000e+00> : vector<2048xf32>
    %reduce_sum3A_12 = vector.multi_reduction <add>, %select_n3A, %reduce_sum3A_11 [0] : vector<1000x2048xf32> to vector<2048xf32>
    %broadcast_in_dim3A_13 = vector.shape_cast %reduce_sum3A_12 : vector<2048xf32> to vector<1x2048xf32>
    %eq3A_14 = arith.constant 0 : i32
    %eq3A_15 = vector.broadcast %eq3A_14 : i32 to vector<1x2048xi32>
    %eq3A_16 = arith.cmpi eq, %get3A_4, %eq3A_15 : vector<1x2048xi32>
    %sub3A_17 = arith.subf %add3A, %broadcast_in_dim3A_13 : vector<1x2048xf32>
    %jit3A_18 = arith.constant 0.000000e+00 : f32
    %broadcast_in_dim3A_19 = vector.broadcast %jit3A_18 : f32 to vector<1x2048xf32>
    %select_n3A_20 = arith.select %eq3A_16, %broadcast_in_dim3A_19, %sub3A_17 : vector<1x2048xi1>, vector<1x2048xf32>
    %broadcast_in_dim3A_21 = vector.shape_cast %select_n3A_20 : vector<1x2048xf32> to vector<1x1x2048xf32>
    %swap3A = arith.constant 0 : index
    %swap3A_22 = arith.constant 0 : index
    %swap3A_23 = arith.constant 0 : index
    %swap3A_24 = vector.load %arg3[%swap3A, %swap3A_22, %swap3A_23] : memref<1x1x2048xf32, #tpu.memory_space<vmem>>, vector<1x1x2048xf32>
    tpu.vector_store %arg3[%swap3A, %swap3A_22, %swap3A_23], %broadcast_in_dim3A_21 {strides = array<i32>} : memref<1x1x2048xf32, #tpu.memory_space<vmem>>, vector<1x1x2048xf32>,
    return
  }
  func.func @transform_0(%arg0: i32) -> (i32, i32) {
    %c0_i32 = arith.constant 0 : i32
    %c0_i32_0 = arith.constant 0 : i32
    return %c0_i32, %arg0 : i32, i32
  }
  func.func @transform_1(%arg0: i32) -> (i32, i32) {
    %c0_i32 = arith.constant 0 : i32
    %c0_i32_0 = arith.constant 0 : i32
    return %c0_i32, %arg0 : i32, i32
  }
  func.func @transform_2(%arg0: i32) -> (i32, i32, i32) {
    %c0_i32 = arith.constant 0 : i32
    %c0_i32_0 = arith.constant 0 : i32
    %c0_i32_1 = arith.constant 0 : i32
    return %arg0, %c0_i32, %c0_i32_0 : i32, i32, i32
  }
}

</mosaic_0001>

<sc_bundles>
// kernel: kernel.4.cloned.1.call-start
scs
__scs_entry_jumppad:
0x0: {  	(pc) =	sbr.rel $0x88, $3  }
0x1: {  	(tag) =	ssettag $0x0;
	lr =	simm.s32 $0x1  }
0x2: {  	[smem:$0x3F9F] =	sst lr;
	_ =	strace $0xD0000000  }
0x3: {  	_ = 	snop  }
0x4: {  	_ = 	snop  }
0x5: {  	_ = 	snop  }
0x6: {  	_ = 	snop  }
0x7: {  	_ = 	snop  }
__scs_overlays_trampoline_lowered:
0x8: {  	[smem:$0x3FAE] =	sst s0  }
0x9: {  	[smem:$0x3FAF] =	sst s1  }
0xa: {  	[smem:$0x3FB0] =	sst s2  }
0xb: {  	[smem:$0x3FB1] =	sst s3  }
0xc: {  	[smem:$0x3FB2] =	sst s4  }
0xd: {  	[smem:$0x3FB3] =	sst s5  }
0xe: {  	[smem:$0x3FB4] =	sst s6  }
0xf: {  	[smem:$0x3FB5] =	sst s7  }
0x10: {  	[smem:$0x3FB6] =	sst s8  }
0x11: {  	[smem:$0x3FB7] =	sst s9;
	s0 =	simm.s32 @!p0 $0x0  }
0x12: {  	s1 =	sld [smem:$0x3F9D];
	s0 =	simm.s32 @p0 $0x1  }
0x13: {  	[smem:$0x3FB8] =	sst s0;
	s0 =	simm.s32 @!p1 $0x0  }
0x14: {  	s2 =	sld [smem:$0x3F9C];
	s0 =	simm.s32 @p1 $0x1  }
0x15: {  	[smem:$0x3FB9] =	sst s0;
	s0 =	simm.s32 @!p2 $0x0  }
0x16: {  	s3 =	sld [smem:$0x3FDB];
	s0 =	simm.s32 @p2 $0x1  }
0x17: {  	s4 =	simm.s32 $0x1BF5;
	[smem:$0x3FBB] =	sst s0  }
0x18: {  	s0 =	sld [smem:$0x3F9E];
	_ =	swait.ge [sflag:s4], $0x0  }
0x19: {  	s7 =	sld [smem:$0x3F9F]  }
0x1a: {  	s8 =	sadd.s32 $0xFFFFE003, lr  }
0x1b: {  	s9 =	sadd.s32 $0xFFFFFEF7, lr;
	s5 =	simm.s32 $0xFFFFFFFF;
	p2 =	slt.u32 s8, $0xFFFFF086  }
0x1c: {  	p1 =	slt.u32 s9, $0xF7A;
	s5 =	simm.s32 @!p2 $0x0  }
0x1d: {  	s5 =	simm.s32 @p1 $0x1;
	p0 =	seq.s32 s7, s2  }
0x1e: {  	s7 =	smul.u32 @!p0 $0xF7A, s2;
	p2 =	seq.s32 @!p0 s5, $0x0  }
0x1f: {  	s9 =	smul.u32 $0xF7A, s1;
	s8 =	simm.s32 @!p0 $0x1BF5;
	p2 =	por !p2, p0  }
0x20: {  	[sflag:s8] =	ssyncset.s32 @!p0 $0xFFFFF086;
	s6 =	sadd.s32 @!p0 s3, s7;
	s7 =	simm.s32 @!p0 $0x108  }
0x21: {  	s3 =	sadd.s32 s3, s9;
	s6 =	sadd.s32 @!p0 $0x88, s6;
	s7 =	simm.s32 @p2 $0x1082  }
0x22: {  	[simem:s7], [sflag:s8] =	dma.local @!p0 [hbm:s6], $0xF7A  }
0x23: {  	s9 =	sor.u32 $0xD0000000, s2;
	s6 =	simm.s32 $0x108;
	_ =	swait.ge @!p0 [sflag:s8], $0x0  }
0x24: {  	s3 =	sadd.s32 $0x88, s3;
	s6 =	simm.s32 @!p1 $0x1082;
	[sflag:s4] =	ssyncset.s32 $0xFFFFF086  }
0x25: {  	[simem:s6], [sflag:s4] =	dma.local [hbm:s3], $0xF7A  }
0x26: {  	[smem:$0x3F9F] =	sst s1;
	(tag) =	ssettag s2;
	_ =	strace s9  }
0x27: {  	s1 =	sld [smem:$0x3FAF]  }
0x28: {  	s2 =	sld [smem:$0x3FB0]  }
0x29: {  	s4 =	sld [smem:$0x3FB2]  }
0x2a: {  	p0 =	seq.s32 s5, $0x0;
	s5 =	sld [smem:$0x3FB3]  }
0x2b: {  	s6 =	sld [smem:$0x3FB4]  }
0x2c: {  	s7 =	sld [smem:$0x3FB5]  }
0x2d: {  	s3 =	simm.s32 $0x108;
	s8 =	sld [smem:$0x3FB6]  }
0x2e: {  	s3 =	simm.s32 @!p0 $0x1082;
	s9 =	sld [smem:$0x3FB7]  }
0x2f: {  	lr =	sadd.s32 s0, s3;
	s0 =	sld [smem:$0x3FAE]  }
0x30: {  	s3 =	sld [smem:$0x3FB1]  }
0x31: {  	[smem:$0x3FBA] =	sst s10  }
0x32: {  	s10 =	sld [smem:$0x3FB8];
	_ =	sdelay $0x3  }
0x33: {  	p0 =	seq.s32 s10, $0x1;
	s10 =	sld [smem:$0x3FBA];
	_ =	sdelay $0x3  }
0x34: {  	[smem:$0x3FBA] =	sst s10  }
0x35: {  	s10 =	sld [smem:$0x3FB9];
	_ =	sdelay $0x3  }
0x36: {  	p1 =	seq.s32 s10, $0x1;
	s10 =	sld [smem:$0x3FBA];
	_ =	sdelay $0x3  }
0x37: {  	[smem:$0x3FBA] =	sst s10  }
0x38: {  	s10 =	sld [smem:$0x3FBB]  }
0x39: {  	_ = 	snop;
	(pc) =	sbr.ind lr, $3  }
0x3a: {  	_ = 	snop  }
0x3b: {  	_ = 	snop  }
0x3c: {  	p2 =	seq.s32 s10, $0x1;
	s10 =	sld [smem:$0x3FBA]  }
0x3d: {  	_ =	shalt  }
0x3e: {  	_ =	shalt  }
0x3f: {  	_ =	shalt  }
0x40: {  	_ =	shalt  }
0x41: {  	_ =	shalt  }
0x42: {  	_ =	shalt  }
0x43: {  	_ =	shalt  }
0x44: {  	_ =	shalt  }
0x45: {  	_ =	shalt  }
0x46: {  	_ =	shalt  }
0x47: {  	_ =	shalt  }
0x48: {  	_ =	shalt  }
0x49: {  	_ =	shalt  }
0x4a: {  	_ =	shalt  }
0x4b: {  	_ =	shalt  }
0x4c: {  	_ =	shalt  }
0x4d: {  	_ =	shalt  }
0x4e: {  	_ =	shalt  }
0x4f: {  	_ =	shalt  }
0x50: {  	_ =	shalt  }
0x51: {  	_ =	shalt  }
0x52: {  	_ =	shalt  }
0x53: {  	_ =	shalt  }
0x54: {  	_ =	shalt  }
0x55: {  	_ =	shalt  }
0x56: {  	_ =	shalt  }
0x57: {  	_ =	shalt  }
0x58: {  	_ =	shalt  }
0x59: {  	_ =	shalt  }
0x5a: {  	_ =	shalt  }
0x5b: {  	_ =	shalt  }
0x5c: {  	_ =	shalt  }
0x5d: {  	_ =	shalt  }
0x5e: {  	_ =	shalt  }
0x5f: {  	_ =	shalt  }
0x60: {  	_ =	shalt  }
0x61: {  	_ =	shalt  }
0x62: {  	_ =	shalt  }
0x63: {  	_ =	shalt  }
0x64: {  	_ =	shalt  }
0x65: {  	_ =	shalt  }
0x66: {  	_ =	shalt  }
0x67: {  	_ =	shalt  }
0x68: {  	_ =	shalt  }
0x69: {  	_ =	shalt  }
0x6a: {  	_ =	shalt  }
0x6b: {  	_ =	shalt  }
0x6c: {  	_ =	shalt  }
0x6d: {  	_ =	shalt  }
0x6e: {  	_ =	shalt  }
0x6f: {  	_ =	shalt  }
0x70: {  	_ =	shalt  }
0x71: {  	_ =	shalt  }
0x72: {  	_ =	shalt  }
0x73: {  	_ =	shalt  }
0x74: {  	_ =	shalt  }
0x75: {  	_ =	shalt  }
0x76: {  	_ =	shalt  }
0x77: {  	_ =	shalt  }
0x78: {  	_ =	shalt  }
0x79: {  	_ =	shalt  }
0x7a: {  	_ =	shalt  }
0x7b: {  	_ =	shalt  }
0x7c: {  	_ =	shalt  }
0x7d: {  	_ =	shalt  }
0x7e: {  	_ =	shalt  }
0x7f: {  	_ =	shalt  }
0x80: {  	_ =	shalt  }
0x81: {  	_ =	shalt  }
0x82: {  	_ =	shalt  }
0x83: {  	_ =	shalt  }
0x84: {  	_ =	shalt  }
0x85: {  	_ =	shalt  }
0x86: {  	_ =	shalt  }
0x87: {  	_ =	shalt  }
.Lfunc_end0:
.L_simem_size_0:
called_computation_lowered:
.L_overlay_start_0:
0x88: {  	s2 =	sld [smem:$0x3FD9]  }
0x89: {  	s3 =	sld [smem:$0x3FFE];
	_ =	sdelay $0x1  }
0x8a: {  	s1 =	srdreg.scid  }
0x8b: {  	s0 =	sand.u32 $0x1, s1  }
0x8c: {  	s17 =	sshll.u32 s0, $0xA;
	s2 =	sadd.s32 s3, s2  }
0x8d: {  	s2 =	sadd.s32 s2, s17  }
0x8e: {  	[smem:$0x3FC6] =	sst s2  }
0x8f: {  	_ = 	snop  }
0x90: {  	s2 =	sld [smem:$0x3FD0];
	(tm) =	ssettm $0x1  }
0x91: {  	s18 =	sld [smem:$0x3FFB];
	_ =	sdelay $0x3  }
0x92: {  	_ =	strace s18  }
0x93: {  	s3 =	sld [smem:$0x3FFC];
	_ =	sdelay $0x3  }
0x94: {  	_ =	strace s3  }
0x95: {  	s3 =	sld [smem:$0x3FFD];
	_ =	sdelay $0x3  }
0x96: {  	_ =	strace s3  }
0x97: {  	_ =	strace $0x8FFFFFFF  }
0x98: {  	s19 =	sld [smem:$0x3FDB];
	_ =	sdelay $0x1  }
0x99: {  	s4 =	simm.s32 $_scs_section_size  }
0x9a: {  	s5 =	simm.s32 $_size__tile_overlayer_lowered;
	s6 =	simm.s32 $_tile_overlayer_lowered  }
0x9b: {  	s22 =	simm.s32 $0x1BFF;
	s21 =	sshll.u32 s6, $0x1;
	s3 =	sadd.s32 s4, s19  }
0x9c: {  	s7 =	simm.s32 $0x0;
	s20 =	sshll.u32 s5, $0x1;
	s5 =	sadd.s32 s21, s3  }
0x9d: {  	[timem:s7], [sflag:s22] =	dma.local [hbm:s5], s20  }
0x9e: {  	_ =	swait.ge [sflag:s22], s20  }
0x9f: {  	s4 =	ssub.s32 $0x0, s20;
	[sflag:s22] =	ssyncset.done $0x0  }
0xa0: {  	[sflag:s22] =	ssyncadd.s32 s4;
	_ =	sdelay $0x1  }
0xa1: {  	s23 =	simm.s32 $0x1B8B  }
0xa2: {  	_ =	swait.ge [sflag:s23], $0x1  }
0xa3: {  	[sflag:s23] =	ssyncset.done $0x0  }
0xa4: {  	s25 =	simm.s32 $0x1B8E;
	s24 =	sld [smem:$0x3FFE];
	[sflag:s23] =	ssyncadd.s32 $0xFFFFFFFF  }
0xa5: {  	s26 =	simm.s32 $execute0_lowered;
	[smem:$0x3FD2] =	sst s25  }
0xa6: {  	s5 =	sshll.u32 s26, $0x1;
	_ =	strace $0x80000046;
	[dreg:$0x1] =	wrdreg $0xFFFFFFFF  }
0xa7: {  	s28 =	simm.s32 $_size_execute0_lowered;
	s3 =	sadd.s32 s3, s5;
	[dreg:$0x0] =	wrdreg $0x0  }
0xa8: {  	s5 =	sshll.u32 s28, $0x1;
	[dreg:$0x2] =	wrdreg s3  }
0xa9: {  	[dreg:$0x3] =	wrdreg s5  }
0xaa: {  	[dreg:$0x4] =	wrdreg $0xC0  }
0xab: {  	_ =	task [dreg:s7], $0x5FFFF  }
0xac: {  	[dreg:$0x1] =	wrdreg $0xFFFFFFFF  }
0xad: {  	[dreg:$0x0] =	wrdreg $0x60  }
0xae: {  	[dreg:$0x2] =	wrdreg s24  }
0xaf: {  	[dreg:$0x3] =	wrdreg s2  }
0xb0: {  	[dreg:$0x4] =	wrdreg $0x9  }
0xb1: {  	_ =	task.clear_ibuf [dreg:s7], $0x5FFFF;
	_ =	strace $0x90000046  }
0xb2: {  	s29 =	simm.s32 $0x9;
	_ =	strace $0x80000048  }
0xb3: {  	_ =	swait.ge [sflag:s29], $0x1  }
0xb4: {  	[sflag:s29] =	ssyncadd.s32 $0xFFFFFFFF  }
0xb5: {  	_ =	strace $0x90000048  }
0xb6: {  	_ =	sfence  }
0xb7: {  	s30 =	sld [smem:$0x0];
	_ =	sdelay $0x2  }
0xb8: {  	s31 =	sshll.u32 s1, $0xD;
	s1 =	sshrl.u32 s1, $0x2  }
0xb9: {  	s3 =	sand.u32 $0x4000, s31;
	s1 =	sadd.s32 s1, s30  }
0xba: {  	s0 =	sor.u32 s3, s0;
	s1 =	sshll.u32 s1, $0x11  }
0xbb: {  	s0 =	sor.u32 s1, s0  }
0xbc: {  	s0 =	sadd.s32 $0x8F2B, s0  }
0xbd: {  	[sflag:s0] =	ssyncadd.remote.s32 $0x1  }
0xbe: {  	_ =	sfence.sel $0xFFFF  }
0xbf: {  	[dreg:$0x0] =	wrdreg $0xFFFFFFFF;
	(pc) =	sbr.abs _section_cstart, $3  }
0xc0: {  	[dreg:$0x1] =	wrdreg $0xFFFFFFFF  }
0xc1: {  	_ =	task.clear_ibuf [dreg:s7], $0x2FFFF;
	_ =	strace $0x9FFFFFFF  }
0xc2: {  	(tm) =	ssettm $0x7FFFFFFF  }
0xc3: {  	_ =	shalt  }
tec
execute0_lowered:
.L_overlay_start_1:
0x0: {  	(tag) =	ssettag $0x1  }
0x1: {  	s4 =	rddreg [dreg:$0x0]  }
0x2: {  	s1 =	rddreg [dreg:$0x1];
	s3 =	simm.s32 $0x0  }
0x3: {  	[smem:$0x7FF] =	sst s3  }
0x4: {  	s0 =	rddreg [dreg:$0x2];
	v0 =	vimm.f32 $0.0e+00;
	_ =	strace $0x80000047  }
0x5: {  	(xrf0) =	vmax.scan.msk.f32 $0xffff, v0;
	_ =	sdelay $0x5  }
0x6: {  	v0, _, _ =	vpop (xrf0)  }
0x7: {  	(v2sf) =	vpush v0, $0xF;
	_ =	sdelay $0x7  }
0x8: {  	s2 =	stileid.u32  }
0x9: {  	s5 =	sshll.u32 s2, $0x3  }
0xa: {  	s6 =	sshll.u32 s2, $0xA;
	s5 =	sand.u32 $0x70, s5  }
0xb: {  	s30 =	sand.u32 $0x400, s6;
	s4 =	sadd.s32 s5, s4  }
0xc: {  	s4 =	sadd.s32 s30, s4  }
0xd: {  	s6 =	simm.s32 $0x400;
	s5 =	simm.s32 $0x80;
	s4 =	sadd.s32 $0x600, s4  }
0xe: {  	[tilespmem:s3], [sflag:$0x1] =	stream.strided.gather [hbm4b:s4+s5], $0x400, s6, s5, $0x38;
	[tilespmem:$0x480] =	vst v63  }
0xf: {  	s8 =	srdreg.scid;
	s7 =	simm.s32 $0x1;
	s9 =	spop (v2sf)  }
0x10: {  	s10 =	sand.u32 $0x1, s8;
	_ =	swait.ge [sflag:s7], $0x400  }
0x11: {  	s8 =	sor.u32 s10, s2;
	[sflag:s7] =	ssyncset.done $0x0  }
0x12: {  	p0 =	sne.s32 s8, $0x0;
	[sflag:s7] =	ssyncadd.s32 $0xFFFFFC00  }
0x13: {  	v0 =	vld @!p0 [tilespmem:$0x0];
	_ =	sdelay $0x4  }
0x14: {  	(xrf2) =	vadd.scan.msk.f32 @!p0 $0xffff, v0;
	_ =	sdelay $0x9  }
0x15: {  	v0, _, _ =	vpop @!p0 (xrf2)  }
0x16: {  	(v2sf) =	vpush @!p0 v0, $0xF;
	_ =	sdelay $0xd  }
0x17: {  	s10 =	ssub.s32 $0x2, s10;
	s8 =	smul.f32 $1.146800000e+04, s9  }
0x18: {  	s11 =	sshrl.u32 s10, $0x1;
	s9 =	spop @!p0 (v2sf)  }
0x19: {  	s10 =	ssub.s32 s10, s11;
	s9 =	sadd.f32 @!p0 s9, s8  }
0x1a: {  	s31 =	smax.u32 s10, $0x1  }
0x1b: {  	s11 =	smul.f32 @!p0 $8.719916510e-05, s9;
	s9 =	sadd.s32 $0xFFFFFFFF, s31  }
0x1c: {  	p1 =	sne.s32 s9, $0x0  }
.Ltmp0:
0x1d: {  	v0 =	vmov @!p0 s11;
	(pc) =	sbr.rel @!p1 .LBB2_2-.Ltmp0, $4  }
0x1e: {  	s12 =	simm.s32 @!p0 $0x400;
	s10 =	simm.s32 @!p0 $0x1;
	s11 =	simm.s32 @!p0 $0x0;
	[tilespmem:$0x400] =	vst @!p0 v0  }
0x1f: {  	[hbm4b:s1+s11] =	stream.linear.scatter @!p0 [tilespmem:s12], [sflag:$0x1], $0x80, $0x38;
	[tilespmem:$0x480] =	vst v63  }
0x20: {  	_ =	swait.ge @!p0 [sflag:s10], $0x80  }
0x21: {  	[sflag:s10] =	ssyncset.done @!p0 $0x0  }
.LBB2_1:
0x22: {  	s9 =	sadd.s32 $0xFFFFFFFF, s9;
	[sflag:s10] =	ssyncadd.s32 @!p0 $0xFFFFFF80  }
0x23: {  	[tilespmem:s3], [sflag:$0x1] =	stream.strided.gather [hbm4b:s4+s5], $0x400, s6, s5, $0x38;
	[tilespmem:$0x480] =	vst v63  }
0x24: {  	p1 =	sne.s32 s9, $0x0;
	_ =	swait.ge [sflag:s7], $0x400  }
0x25: {  	[sflag:s7] =	ssyncset.done $0x0  }
0x26: {  	[sflag:s7] =	ssyncadd.s32 $0xFFFFFC00  }
0x27: {  	v0 =	vld @!p0 [tilespmem:$0x0];
	_ =	sdelay $0x4  }
0x28: {  	(xrf2) =	vadd.scan.msk.f32 @!p0 $0xffff, v0;
	_ =	sdelay $0x9  }
0x29: {  	v0, _, _ =	vpop @!p0 (xrf2)  }
0x2a: {  	(v2sf) =	vpush @!p0 v0, $0xF;
	_ =	sdelay $0xe  }
0x2b: {  	s13 =	spop @!p0 (v2sf)  }
0x2c: {  	s13 =	sadd.f32 @!p0 s13, s8;
	_ =	sdelay $0x1  }
0x2d: {  	s13 =	smul.f32 @!p0 $8.719916510e-05, s13;
	_ =	sdelay $0x1  }
.Ltmp1:
0x2e: {  	v0 =	vmov @!p0 s13;
	(pc) =	sbr.rel @p1 .LBB2_1-.Ltmp1, $4  }
0x2f: {  	[tilespmem:$0x400] =	vst @!p0 v0  }
0x30: {  	[hbm4b:s1+s11] =	stream.linear.scatter @!p0 [tilespmem:s12], [sflag:$0x1], $0x80, $0x38;
	[tilespmem:$0x480] =	vst v63  }
0x31: {  	_ =	swait.ge @!p0 [sflag:s10], $0x80  }
0x32: {  	[sflag:s10] =	ssyncset.done @!p0 $0x0  }
.LBB2_2:
0x33: {  	[sflag:s10] =	ssyncadd.s32 @!p0 $0xFFFFFF80  }
0x34: {  	_ =	sfence.sel $0x180000  }
0x35: {  	[bflag:$0x0] =	sbarrier.arrive $0xFFFF  }
0x36: {  	p0 =	sne.s32 s2, $0x0;
	_ =	strace $0x90000047  }
0x37: {  	s0 =	sadd.s32 @!p0 $0x100000, s0;
	[bflag:$0x2] =	sbarrier.arrive $0xFFFF  }
0x38: {  	[sflag:s0] =	ssyncadd.tile.s32 @!p0 $0x1;
	_ =	shalt  }
.Lfunc_end2:
_tile_overlayer_lowered:
.L_overlay_start_2:
0x39: {  	(tag) =	ssettag $0x2  }
0x3a: {  	s0 =	rddreg [dreg:$0x0];
	s2 =	stileid.u32  }
0x3b: {  	s1 =	rddreg [dreg:$0x1];
	p0 =	sne.s32 s2, $0x0  }
0x3c: {  	s3 =	rddreg [dreg:$0x2];
	[bflag:$0x3] =	sbarrier.arrive $0xFFFF;
	s2 =	simm.s32 @!p0 $0x1C01  }
0x3d: {  	[timem:s3], [sflag:s2] =	dma.local @!p0 [hbm:s0], s1  }
0x3e: {  	s0 =	simm.s32 @!p0 $0x1  }
0x3f: {  	_ =	swait.ge @!p0 [sflag:s0], s1  }
0x40: {  	s1 =	ssub.s32 @!p0 $0x0, s1;
	[sflag:s0] =	ssyncset.done @!p0 $0x0  }
0x41: {  	[sflag:s0] =	ssyncadd.s32 @!p0 s1  }
0x42: {  	[bflag:$0x3] =	sbarrier.arrive $0xFFFF  }
0x43: {  	_ =	shalt  }

</sc_bundles>
